<compile_context>
chip_gen: v7x
topology: tpu7x:2x2x1
jax: 0.10.2.dev20260603
libtpu: 0.0.44.dev20260713+nightly
codegen_flags: <defaults>
</compile_context>

<pallas_src>
import functools

import jax
import jax.numpy as jnp
from jax.experimental import pallas as pl
from jax.experimental.pallas import tpu as pltpu


def _body(K, xy_ref, rx_ref, ry_ref, om_ref, w_ref, b_ref, o_ref, idx_ref,
          out_ref, xs, ys):
    i = pl.program_id(0)

    @pl.when(i == 0)
    def _init():
        xs[...] = xy_ref[0]
        ys[...] = xy_ref[1]

    rx = rx_ref[...]
    ry = ry_ref[...]
    om = om_ref[...]
    for k in range(K):
        t = i * K + k
        fi = idx_ref[t]
        w00 = w_ref[4 * fi]
        w01 = w_ref[4 * fi + 1]
        w10 = w_ref[4 * fi + 2]
        w11 = w_ref[4 * fi + 3]
        b0 = b_ref[2 * fi]
        b1 = b_ref[2 * fi + 1]
        op = o_ref[fi]
        x = xs[...]
        y = ys[...]
        xn = x * w00 + y * w01 + b0
        yn = x * w10 + y * w11 + b1
        xs[...] = xn
        ys[...] = yn
        slab = (jnp.dot(xn, rx, preferred_element_type=jnp.float32)
                + jnp.dot(yn, ry, preferred_element_type=jnp.float32)
                + op * om)
        out_ref[k] = slab


def kernel(points0, W, b, opac, idx):
    T = idx.shape[0]
    B = points0.shape[0]
    R = B // 128

    xy = points0.T.reshape(2, R, 128)

    cols = jnp.arange(384)[None, :]
    lanes = jnp.arange(128)[:, None]
    rx = jnp.where(cols == 3 * lanes, jnp.float32(0.25), jnp.float32(0.0))
    ry = jnp.where(cols == 3 * lanes + 1, jnp.float32(0.25), jnp.float32(0.0))
    om = (jnp.arange(384)[None, :] % 3 == 2).astype(jnp.float32)

    wf = W.reshape(-1).astype(jnp.float32)
    bf = b.reshape(-1).astype(jnp.float32)
    of = opac.astype(jnp.float32)
    idx32 = idx.astype(jnp.int32)

    K = 1
    for cand in (8, 10, 20, 25, 5, 4, 2):
        if T % cand == 0:
            K = cand
            break

    out = pl.pallas_call(
        functools.partial(_body, K),
        grid=(T // K,),
        in_specs=[
            pl.BlockSpec((2, R, 128), lambda i: (0, 0, 0)),
            pl.BlockSpec((128, 384), lambda i: (0, 0)),
            pl.BlockSpec((128, 384), lambda i: (0, 0)),
            pl.BlockSpec((1, 384), lambda i: (0, 0)),
            pl.BlockSpec(memory_space=pltpu.SMEM),
            pl.BlockSpec(memory_space=pltpu.SMEM),
            pl.BlockSpec(memory_space=pltpu.SMEM),
            pl.BlockSpec(memory_space=pltpu.SMEM),
        ],
        out_specs=pl.BlockSpec((K, R, 384), lambda i: (i, 0, 0)),
        out_shape=jax.ShapeDtypeStruct((T, R, 384), jnp.float32),
        scratch_shapes=[
            pltpu.VMEM((R, 128), jnp.float32),
            pltpu.VMEM((R, 128), jnp.float32),
        ],
    )(xy, rx, ry, om, wf, bf, of, idx32)
    return out.reshape(T * B, 3)

# --- scband reference (transcript-rebuilt; emitter-appended) ---
"""Pipeline reference for scband-model-39462159516149 (READ-ONLY COPY).

The authoritative reference and input builder live on the scoring server;
editing this copy changes nothing except your own understanding.
"""

import jax, jax.numpy as jnp
import numpy as np

N_FUNCS = 8
NUM_POINTS = 1000
MODEL_BATCHES = 4096


def setup_inputs(seed: int = 0) -> dict:
    key = jax.random.key(seed)
    k1, k2, k3, k4, k5 = jax.random.split(key, 5)
    # uniform_sample1d(min=-5, max=5, dim=(B, 2))
    points0 = jax.random.uniform(k1, (MODEL_BATCHES, 2), minval=-5.0, maxval=5.0, dtype=jnp.float32)
    # Contractive affine maps: scale down so spectral norm < 1 (ContractiveFunction)
    W = 0.3 * jax.random.normal(k2, (N_FUNCS, 2, 2), dtype=jnp.float32)
    b = 0.5 * jax.random.normal(k3, (N_FUNCS, 2), dtype=jnp.float32)
    opac = jax.random.uniform(k4, (N_FUNCS,), dtype=jnp.float32)
    # Pre-sampled IFS function sequence (fractal_code with randomize_sequence)
    idx = jax.random.randint(k5, (NUM_POINTS,), 0, N_FUNCS)
    return {"points0": points0, "W": W, "b": b, "opac": opac, "idx": idx}


def reference(points0, W, b, opac, idx):
    # ParallelIFS: iterate the chaos game. At each step the sampled affine map
    # is applied to every parallel chain; each emitted point carries the
    # opacity of the function that produced it.
    MV = jnp.array([[0.25, 0.0], [0.0, 0.25]], dtype=jnp.float32)  # apply_mv_transform

    def step(p, i):
        Wi = W[i]
        bi = b[i]
        p_new = p @ Wi.T + bi  # (B, 2)
        op = jnp.full((p_new.shape[0], 1), 1.0, dtype=p_new.dtype) * opac[i]
        out = jnp.concatenate([p_new, op], axis=1)  # (B, 3)
        return p_new, out

    _, all_pts = jax.lax.scan(step, points0, idx)  # (T, B, 3)
    pts = all_pts.reshape(-1, 3)  # (T*B, 3)
    ops = pts[:, 2:3]
    xy = pts[:, :2]
    txy = xy @ MV.T  # model-view transform
    top_points = jnp.concatenate([txy, ops], axis=1)
    return top_points

if __name__ == "__main__":
    import jax
    _d = setup_inputs()
    print(jax.jit(kernel)(*tuple(_d.values())))

</pallas_src>

<mosaic_0001>
module attributes {stable_mosaic.version = 14 : i64} {
  func.func @_body(%arg0: i32, %arg1: memref<2x32x128xf32, #tpu.memory_space<vmem>>, %arg2: memref<128x384xf32, #tpu.memory_space<vmem>>, %arg3: memref<128x384xf32, #tpu.memory_space<vmem>>, %arg4: memref<1x384xf32, #tpu.memory_space<vmem>>, %arg5: memref<32xf32, #tpu.memory_space<smem>>, %arg6: memref<16xf32, #tpu.memory_space<smem>>, %arg7: memref<8xf32, #tpu.memory_space<smem>>, %arg8: memref<1000xi32, #tpu.memory_space<smem>>, %arg9: memref<8x32x384xf32, #tpu.memory_space<vmem>>, %arg10: memref<32x128xf32, #tpu.memory_space<vmem>>, %arg11: memref<32x128xf32, #tpu.memory_space<vmem>>) attributes {dimension_semantics = [#tpu.dimension_semantics<arbitrary>], iteration_bounds = array<i64: 125>, scalar_prefetch = 0 : i64, scratch_operands = 2 : i64, tpu.core_type = #tpu.core_type<tc>, window_params = [{pipeline_mode = #tpu.pipeline_mode<synchronous>, transform_indices = @transform_0, window_bounds = array<i64: 2, 32, 128>}, {pipeline_mode = #tpu.pipeline_mode<synchronous>, transform_indices = @transform_1, window_bounds = array<i64: 128, 384>}, {pipeline_mode = #tpu.pipeline_mode<synchronous>, transform_indices = @transform_2, window_bounds = array<i64: 128, 384>}, {pipeline_mode = #tpu.pipeline_mode<synchronous>, transform_indices = @transform_3, window_bounds = array<i64: 1, 384>}, {transform_indices = @transform_4, window_bounds = array<i64: 32>}, {transform_indices = @transform_5, window_bounds = array<i64: 16>}, {transform_indices = @transform_6, window_bounds = array<i64: 8>}, {transform_indices = @transform_7, window_bounds = array<i64: 1000>}, {transform_indices = @transform_8, window_bounds = array<i64: 8, 32, 384>}]} {
    %eq3A = arith.constant 0 : i32
    %eq3A_0 = arith.cmpi eq, %arg0, %eq3A : i32
    %convert_element_type3A = arith.extui %eq3A_0 : i1 to i32
    %cond3A = arith.constant 0 : i32
    %cond3A_1 = arith.cmpi ne, %convert_element_type3A, %cond3A : i32
    scf.if %cond3A_1 {
      %get3A_654 = arith.constant 0 : index
      %get3A_655 = arith.constant 0 : index
      %get3A_656 = arith.constant 0 : index
      %get3A_657 = vector.load %arg1[%get3A_654, %get3A_655, %get3A_656] : memref<2x32x128xf32, #tpu.memory_space<vmem>>, vector<1x32x128xf32>
      %get3A_658 = vector.shape_cast %get3A_657 : vector<1x32x128xf32> to vector<32x128xf32>
      %swap3A_659 = arith.constant 0 : index
      %swap3A_660 = arith.constant 0 : index
      %swap3A_661 = vector.load %arg10[%swap3A_659, %swap3A_660] : memref<32x128xf32, #tpu.memory_space<vmem>>, vector<32x128xf32>
      tpu.vector_store %arg10[%swap3A_659, %swap3A_660], %get3A_658 {strides = array<i32>} : memref<32x128xf32, #tpu.memory_space<vmem>>, vector<32x128xf32>,
      %get3A_662 = arith.constant 1 : index
      %get3A_663 = arith.constant 0 : index
      %get3A_664 = arith.constant 0 : index
      %get3A_665 = vector.load %arg1[%get3A_662, %get3A_663, %get3A_664] : memref<2x32x128xf32, #tpu.memory_space<vmem>>, vector<1x32x128xf32>
      %get3A_666 = vector.shape_cast %get3A_665 : vector<1x32x128xf32> to vector<32x128xf32>
      %swap3A_667 = arith.constant 0 : index
      %swap3A_668 = arith.constant 0 : index
      %swap3A_669 = vector.load %arg11[%swap3A_667, %swap3A_668] : memref<32x128xf32, #tpu.memory_space<vmem>>, vector<32x128xf32>
      tpu.vector_store %arg11[%swap3A_667, %swap3A_668], %get3A_666 {strides = array<i32>} : memref<32x128xf32, #tpu.memory_space<vmem>>, vector<32x128xf32>,
    } else {
    }
    %get3A = arith.constant 0 : index
    %get3A_2 = arith.constant 0 : index
    %get3A_3 = vector.load %arg2[%get3A, %get3A_2] : memref<128x384xf32, #tpu.memory_space<vmem>>, vector<128x384xf32>
    %get3A_4 = arith.constant 0 : index
    %get3A_5 = arith.constant 0 : index
    %get3A_6 = vector.load %arg3[%get3A_4, %get3A_5] : memref<128x384xf32, #tpu.memory_space<vmem>>, vector<128x384xf32>
    %get3A_7 = arith.constant 0 : index
    %get3A_8 = arith.constant 0 : index
    %get3A_9 = vector.load %arg4[%get3A_7, %get3A_8] : memref<1x384xf32, #tpu.memory_space<vmem>>, vector<1x384xf32>
    %mul3A = arith.constant 8 : i32
    %mul3A_10 = arith.muli %arg0, %mul3A : i32
    %add3A = arith.constant 0 : i32
    %add3A_11 = arith.addi %mul3A_10, %add3A : i32
    %get3A_12 = arith.index_cast %add3A_11 : i32 to index
    %get3A_13 = memref.load %arg8[%get3A_12] : memref<1000xi32, #tpu.memory_space<smem>>
    %mul3A_14 = arith.constant 4 : i32
    %mul3A_15 = arith.muli %mul3A_14, %get3A_13 : i32
    %get3A_16 = arith.index_cast %mul3A_15 : i32 to index
    %get3A_17 = memref.load %arg5[%get3A_16] : memref<32xf32, #tpu.memory_space<smem>>
    %mul3A_18 = arith.constant 4 : i32
    %mul3A_19 = arith.muli %mul3A_18, %get3A_13 : i32
    %add3A_20 = arith.constant 1 : i32
    %add3A_21 = arith.addi %mul3A_19, %add3A_20 : i32
    %get3A_22 = arith.index_cast %add3A_21 : i32 to index
    %get3A_23 = memref.load %arg5[%get3A_22] : memref<32xf32, #tpu.memory_space<smem>>
    %mul3A_24 = arith.constant 4 : i32
    %mul3A_25 = arith.muli %mul3A_24, %get3A_13 : i32
    %add3A_26 = arith.constant 2 : i32
    %add3A_27 = arith.addi %mul3A_25, %add3A_26 : i32
    %get3A_28 = arith.index_cast %add3A_27 : i32 to index
    %get3A_29 = memref.load %arg5[%get3A_28] : memref<32xf32, #tpu.memory_space<smem>>
    %mul3A_30 = arith.constant 4 : i32
    %mul3A_31 = arith.muli %mul3A_30, %get3A_13 : i32
    %add3A_32 = arith.constant 3 : i32
    %add3A_33 = arith.addi %mul3A_31, %add3A_32 : i32
    %get3A_34 = arith.index_cast %add3A_33 : i32 to index
    %get3A_35 = memref.load %arg5[%get3A_34] : memref<32xf32, #tpu.memory_space<smem>>
    %mul3A_36 = arith.constant 2 : i32
    %mul3A_37 = arith.muli %mul3A_36, %get3A_13 : i32
    %get3A_38 = arith.index_cast %mul3A_37 : i32 to index
    %get3A_39 = memref.load %arg6[%get3A_38] : memref<16xf32, #tpu.memory_space<smem>>
    %mul3A_40 = arith.constant 2 : i32
    %mul3A_41 = arith.muli %mul3A_40, %get3A_13 : i32
    %add3A_42 = arith.constant 1 : i32
    %add3A_43 = arith.addi %mul3A_41, %add3A_42 : i32
    %get3A_44 = arith.index_cast %add3A_43 : i32 to index
    %get3A_45 = memref.load %arg6[%get3A_44] : memref<16xf32, #tpu.memory_space<smem>>
    %get3A_46 = arith.index_cast %get3A_13 : i32 to index
    %get3A_47 = memref.load %arg7[%get3A_46] : memref<8xf32, #tpu.memory_space<smem>>
    %get3A_48 = arith.constant 0 : index
    %get3A_49 = arith.constant 0 : index
    %get3A_50 = vector.load %arg10[%get3A_48, %get3A_49] : memref<32x128xf32, #tpu.memory_space<vmem>>, vector<32x128xf32>
    %get3A_51 = arith.constant 0 : index
    %get3A_52 = arith.constant 0 : index
    %get3A_53 = vector.load %arg11[%get3A_51, %get3A_52] : memref<32x128xf32, #tpu.memory_space<vmem>>, vector<32x128xf32>
    %mul3A_54 = vector.broadcast %get3A_17 : f32 to vector<32x128xf32>
    %mul3A_55 = arith.mulf %get3A_50, %mul3A_54 : vector<32x128xf32>
    %mul3A_56 = vector.broadcast %get3A_23 : f32 to vector<32x128xf32>
    %mul3A_57 = arith.mulf %get3A_53, %mul3A_56 : vector<32x128xf32>
    %add3A_58 = arith.addf %mul3A_55, %mul3A_57 : vector<32x128xf32>
    %add3A_59 = vector.broadcast %get3A_39 : f32 to vector<32x128xf32>
    %add3A_60 = arith.addf %add3A_58, %add3A_59 : vector<32x128xf32>
    %mul3A_61 = vector.broadcast %get3A_29 : f32 to vector<32x128xf32>
    %mul3A_62 = arith.mulf %get3A_50, %mul3A_61 : vector<32x128xf32>
    %mul3A_63 = vector.broadcast %get3A_35 : f32 to vector<32x128xf32>
    %mul3A_64 = arith.mulf %get3A_53, %mul3A_63 : vector<32x128xf32>
    %add3A_65 = arith.addf %mul3A_62, %mul3A_64 : vector<32x128xf32>
    %add3A_66 = vector.broadcast %get3A_45 : f32 to vector<32x128xf32>
    %add3A_67 = arith.addf %add3A_65, %add3A_66 : vector<32x128xf32>
    %swap3A = arith.constant 0 : index
    %swap3A_68 = arith.constant 0 : index
    %swap3A_69 = vector.load %arg10[%swap3A, %swap3A_68] : memref<32x128xf32, #tpu.memory_space<vmem>>, vector<32x128xf32>
    tpu.vector_store %arg10[%swap3A, %swap3A_68], %add3A_60 {strides = array<i32>} : memref<32x128xf32, #tpu.memory_space<vmem>>, vector<32x128xf32>,
    %swap3A_70 = arith.constant 0 : index
    %swap3A_71 = arith.constant 0 : index
    %swap3A_72 = vector.load %arg11[%swap3A_70, %swap3A_71] : memref<32x128xf32, #tpu.memory_space<vmem>>, vector<32x128xf32>
    tpu.vector_store %arg11[%swap3A_70, %swap3A_71], %add3A_67 {strides = array<i32>} : memref<32x128xf32, #tpu.memory_space<vmem>>, vector<32x128xf32>,
    %dot_general3A = arith.constant dense<0.000000e+00> : vector<32x384xf32>
    %dot_general3A_73 = tpu.matmul %add3A_60, %get3A_3, %dot_general3A {dimension_numbers = #tpu.dot_dimension_numbers<[1], [0], [0], [1], [0, 0, 1, 1], [], []>, transpose_lhs_hint = false} : vector<32x128xf32>, vector<128x384xf32>, vector<32x384xf32> -> vector<32x384xf32>
    %dot_general3A_74 = arith.constant dense<0.000000e+00> : vector<32x384xf32>
    %dot_general3A_75 = tpu.matmul %add3A_67, %get3A_6, %dot_general3A_74 {dimension_numbers = #tpu.dot_dimension_numbers<[1], [0], [0], [1], [0, 0, 1, 1], [], []>, transpose_lhs_hint = false} : vector<32x128xf32>, vector<128x384xf32>, vector<32x384xf32> -> vector<32x384xf32>
    %add3A_76 = arith.addf %dot_general3A_73, %dot_general3A_75 : vector<32x384xf32>
    %mul3A_77 = vector.broadcast %get3A_47 : f32 to vector<1x384xf32>
    %mul3A_78 = arith.mulf %mul3A_77, %get3A_9 : vector<1x384xf32>
    %add3A_79 = vector.broadcast %mul3A_78 : vector<1x384xf32> to vector<32x384xf32>
    %add3A_80 = arith.addf %add3A_76, %add3A_79 : vector<32x384xf32>
    %swap3A_81 = arith.constant 0 : index
    %swap3A_82 = arith.constant 0 : index
    %swap3A_83 = arith.constant 0 : index
    %swap3A_84 = vector.load %arg9[%swap3A_81, %swap3A_82, %swap3A_83] : memref<8x32x384xf32, #tpu.memory_space<vmem>>, vector<1x32x384xf32>
    %swap3A_85 = vector.shape_cast %swap3A_84 : vector<1x32x384xf32> to vector<32x384xf32>
    %swap3A_86 = vector.shape_cast %add3A_80 : vector<32x384xf32> to vector<1x32x384xf32>
    tpu.vector_store %arg9[%swap3A_81, %swap3A_82, %swap3A_83], %swap3A_86 {strides = array<i32>} : memref<8x32x384xf32, #tpu.memory_space<vmem>>, vector<1x32x384xf32>,
    %mul3A_87 = arith.constant 8 : i32
    %mul3A_88 = arith.muli %arg0, %mul3A_87 : i32
    %add3A_89 = arith.constant 1 : i32
    %add3A_90 = arith.addi %mul3A_88, %add3A_89 : i32
    %get3A_91 = arith.index_cast %add3A_90 : i32 to index
    %get3A_92 = memref.load %arg8[%get3A_91] : memref<1000xi32, #tpu.memory_space<smem>>
    %mul3A_93 = arith.constant 4 : i32
    %mul3A_94 = arith.muli %mul3A_93, %get3A_92 : i32
    %get3A_95 = arith.index_cast %mul3A_94 : i32 to index
    %get3A_96 = memref.load %arg5[%get3A_95] : memref<32xf32, #tpu.memory_space<smem>>
    %mul3A_97 = arith.constant 4 : i32
    %mul3A_98 = arith.muli %mul3A_97, %get3A_92 : i32
    %add3A_99 = arith.constant 1 : i32
    %add3A_100 = arith.addi %mul3A_98, %add3A_99 : i32
    %get3A_101 = arith.index_cast %add3A_100 : i32 to index
    %get3A_102 = memref.load %arg5[%get3A_101] : memref<32xf32, #tpu.memory_space<smem>>
    %mul3A_103 = arith.constant 4 : i32
    %mul3A_104 = arith.muli %mul3A_103, %get3A_92 : i32
    %add3A_105 = arith.constant 2 : i32
    %add3A_106 = arith.addi %mul3A_104, %add3A_105 : i32
    %get3A_107 = arith.index_cast %add3A_106 : i32 to index
    %get3A_108 = memref.load %arg5[%get3A_107] : memref<32xf32, #tpu.memory_space<smem>>
    %mul3A_109 = arith.constant 4 : i32
    %mul3A_110 = arith.muli %mul3A_109, %get3A_92 : i32
    %add3A_111 = arith.constant 3 : i32
    %add3A_112 = arith.addi %mul3A_110, %add3A_111 : i32
    %get3A_113 = arith.index_cast %add3A_112 : i32 to index
    %get3A_114 = memref.load %arg5[%get3A_113] : memref<32xf32, #tpu.memory_space<smem>>
    %mul3A_115 = arith.constant 2 : i32
    %mul3A_116 = arith.muli %mul3A_115, %get3A_92 : i32
    %get3A_117 = arith.index_cast %mul3A_116 : i32 to index
    %get3A_118 = memref.load %arg6[%get3A_117] : memref<16xf32, #tpu.memory_space<smem>>
    %mul3A_119 = arith.constant 2 : i32
    %mul3A_120 = arith.muli %mul3A_119, %get3A_92 : i32
    %add3A_121 = arith.constant 1 : i32
    %add3A_122 = arith.addi %mul3A_120, %add3A_121 : i32
    %get3A_123 = arith.index_cast %add3A_122 : i32 to index
    %get3A_124 = memref.load %arg6[%get3A_123] : memref<16xf32, #tpu.memory_space<smem>>
    %get3A_125 = arith.index_cast %get3A_92 : i32 to index
    %get3A_126 = memref.load %arg7[%get3A_125] : memref<8xf32, #tpu.memory_space<smem>>
    %get3A_127 = arith.constant 0 : index
    %get3A_128 = arith.constant 0 : index
    %get3A_129 = vector.load %arg10[%get3A_127, %get3A_128] : memref<32x128xf32, #tpu.memory_space<vmem>>, vector<32x128xf32>
    %get3A_130 = arith.constant 0 : index
    %get3A_131 = arith.constant 0 : index
    %get3A_132 = vector.load %arg11[%get3A_130, %get3A_131] : memref<32x128xf32, #tpu.memory_space<vmem>>, vector<32x128xf32>
    %mul3A_133 = vector.broadcast %get3A_96 : f32 to vector<32x128xf32>
    %mul3A_134 = arith.mulf %get3A_129, %mul3A_133 : vector<32x128xf32>
    %mul3A_135 = vector.broadcast %get3A_102 : f32 to vector<32x128xf32>
    %mul3A_136 = arith.mulf %get3A_132, %mul3A_135 : vector<32x128xf32>
    %add3A_137 = arith.addf %mul3A_134, %mul3A_136 : vector<32x128xf32>
    %add3A_138 = vector.broadcast %get3A_118 : f32 to vector<32x128xf32>
    %add3A_139 = arith.addf %add3A_137, %add3A_138 : vector<32x128xf32>
    %mul3A_140 = vector.broadcast %get3A_108 : f32 to vector<32x128xf32>
    %mul3A_141 = arith.mulf %get3A_129, %mul3A_140 : vector<32x128xf32>
    %mul3A_142 = vector.broadcast %get3A_114 : f32 to vector<32x128xf32>
    %mul3A_143 = arith.mulf %get3A_132, %mul3A_142 : vector<32x128xf32>
    %add3A_144 = arith.addf %mul3A_141, %mul3A_143 : vector<32x128xf32>
    %add3A_145 = vector.broadcast %get3A_124 : f32 to vector<32x128xf32>
    %add3A_146 = arith.addf %add3A_144, %add3A_145 : vector<32x128xf32>
    %swap3A_147 = arith.constant 0 : index
    %swap3A_148 = arith.constant 0 : index
    %swap3A_149 = vector.load %arg10[%swap3A_147, %swap3A_148] : memref<32x128xf32, #tpu.memory_space<vmem>>, vector<32x128xf32>
    tpu.vector_store %arg10[%swap3A_147, %swap3A_148], %add3A_139 {strides = array<i32>} : memref<32x128xf32, #tpu.memory_space<vmem>>, vector<32x128xf32>,
    %swap3A_150 = arith.constant 0 : index
    %swap3A_151 = arith.constant 0 : index
    %swap3A_152 = vector.load %arg11[%swap3A_150, %swap3A_151] : memref<32x128xf32, #tpu.memory_space<vmem>>, vector<32x128xf32>
    tpu.vector_store %arg11[%swap3A_150, %swap3A_151], %add3A_146 {strides = array<i32>} : memref<32x128xf32, #tpu.memory_space<vmem>>, vector<32x128xf32>,
    %dot_general3A_153 = arith.constant dense<0.000000e+00> : vector<32x384xf32>
    %dot_general3A_154 = tpu.matmul %add3A_139, %get3A_3, %dot_general3A_153 {dimension_numbers = #tpu.dot_dimension_numbers<[1], [0], [0], [1], [0, 0, 1, 1], [], []>, transpose_lhs_hint = false} : vector<32x128xf32>, vector<128x384xf32>, vector<32x384xf32> -> vector<32x384xf32>
    %dot_general3A_155 = arith.constant dense<0.000000e+00> : vector<32x384xf32>
    %dot_general3A_156 = tpu.matmul %add3A_146, %get3A_6, %dot_general3A_155 {dimension_numbers = #tpu.dot_dimension_numbers<[1], [0], [0], [1], [0, 0, 1, 1], [], []>, transpose_lhs_hint = false} : vector<32x128xf32>, vector<128x384xf32>, vector<32x384xf32> -> vector<32x384xf32>
    %add3A_157 = arith.addf %dot_general3A_154, %dot_general3A_156 : vector<32x384xf32>
    %mul3A_158 = vector.broadcast %get3A_126 : f32 to vector<1x384xf32>
    %mul3A_159 = arith.mulf %mul3A_158, %get3A_9 : vector<1x384xf32>
    %add3A_160 = vector.broadcast %mul3A_159 : vector<1x384xf32> to vector<32x384xf32>
    %add3A_161 = arith.addf %add3A_157, %add3A_160 : vector<32x384xf32>
    %swap3A_162 = arith.constant 1 : index
    %swap3A_163 = arith.constant 0 : index
    %swap3A_164 = arith.constant 0 : index
    %swap3A_165 = vector.load %arg9[%swap3A_162, %swap3A_163, %swap3A_164] : memref<8x32x384xf32, #tpu.memory_space<vmem>>, vector<1x32x384xf32>
    %swap3A_166 = vector.shape_cast %swap3A_165 : vector<1x32x384xf32> to vector<32x384xf32>
    %swap3A_167 = vector.shape_cast %add3A_161 : vector<32x384xf32> to vector<1x32x384xf32>
    tpu.vector_store %arg9[%swap3A_162, %swap3A_163, %swap3A_164], %swap3A_167 {strides = array<i32>} : memref<8x32x384xf32, #tpu.memory_space<vmem>>, vector<1x32x384xf32>,
    %mul3A_168 = arith.constant 8 : i32
    %mul3A_169 = arith.muli %arg0, %mul3A_168 : i32
    %add3A_170 = arith.constant 2 : i32
    %add3A_171 = arith.addi %mul3A_169, %add3A_170 : i32
    %get3A_172 = arith.index_cast %add3A_171 : i32 to index
    %get3A_173 = memref.load %arg8[%get3A_172] : memref<1000xi32, #tpu.memory_space<smem>>
    %mul3A_174 = arith.constant 4 : i32
    %mul3A_175 = arith.muli %mul3A_174, %get3A_173 : i32
    %get3A_176 = arith.index_cast %mul3A_175 : i32 to index
    %get3A_177 = memref.load %arg5[%get3A_176] : memref<32xf32, #tpu.memory_space<smem>>
    %mul3A_178 = arith.constant 4 : i32
    %mul3A_179 = arith.muli %mul3A_178, %get3A_173 : i32
    %add3A_180 = arith.constant 1 : i32
    %add3A_181 = arith.addi %mul3A_179, %add3A_180 : i32
    %get3A_182 = arith.index_cast %add3A_181 : i32 to index
    %get3A_183 = memref.load %arg5[%get3A_182] : memref<32xf32, #tpu.memory_space<smem>>
    %mul3A_184 = arith.constant 4 : i32
    %mul3A_185 = arith.muli %mul3A_184, %get3A_173 : i32
    %add3A_186 = arith.constant 2 : i32
    %add3A_187 = arith.addi %mul3A_185, %add3A_186 : i32
    %get3A_188 = arith.index_cast %add3A_187 : i32 to index
    %get3A_189 = memref.load %arg5[%get3A_188] : memref<32xf32, #tpu.memory_space<smem>>
    %mul3A_190 = arith.constant 4 : i32
    %mul3A_191 = arith.muli %mul3A_190, %get3A_173 : i32
    %add3A_192 = arith.constant 3 : i32
    %add3A_193 = arith.addi %mul3A_191, %add3A_192 : i32
    %get3A_194 = arith.index_cast %add3A_193 : i32 to index
    %get3A_195 = memref.load %arg5[%get3A_194] : memref<32xf32, #tpu.memory_space<smem>>
    %mul3A_196 = arith.constant 2 : i32
    %mul3A_197 = arith.muli %mul3A_196, %get3A_173 : i32
    %get3A_198 = arith.index_cast %mul3A_197 : i32 to index
    %get3A_199 = memref.load %arg6[%get3A_198] : memref<16xf32, #tpu.memory_space<smem>>
    %mul3A_200 = arith.constant 2 : i32
    %mul3A_201 = arith.muli %mul3A_200, %get3A_173 : i32
    %add3A_202 = arith.constant 1 : i32
    %add3A_203 = arith.addi %mul3A_201, %add3A_202 : i32
    %get3A_204 = arith.index_cast %add3A_203 : i32 to index
    %get3A_205 = memref.load %arg6[%get3A_204] : memref<16xf32, #tpu.memory_space<smem>>
    %get3A_206 = arith.index_cast %get3A_173 : i32 to index
    %get3A_207 = memref.load %arg7[%get3A_206] : memref<8xf32, #tpu.memory_space<smem>>
    %get3A_208 = arith.constant 0 : index
    %get3A_209 = arith.constant 0 : index
    %get3A_210 = vector.load %arg10[%get3A_208, %get3A_209] : memref<32x128xf32, #tpu.memory_space<vmem>>, vector<32x128xf32>
    %get3A_211 = arith.constant 0 : index
    %get3A_212 = arith.constant 0 : index
    %get3A_213 = vector.load %arg11[%get3A_211, %get3A_212] : memref<32x128xf32, #tpu.memory_space<vmem>>, vector<32x128xf32>
    %mul3A_214 = vector.broadcast %get3A_177 : f32 to vector<32x128xf32>
    %mul3A_215 = arith.mulf %get3A_210, %mul3A_214 : vector<32x128xf32>
    %mul3A_216 = vector.broadcast %get3A_183 : f32 to vector<32x128xf32>
    %mul3A_217 = arith.mulf %get3A_213, %mul3A_216 : vector<32x128xf32>
    %add3A_218 = arith.addf %mul3A_215, %mul3A_217 : vector<32x128xf32>
    %add3A_219 = vector.broadcast %get3A_199 : f32 to vector<32x128xf32>
    %add3A_220 = arith.addf %add3A_218, %add3A_219 : vector<32x128xf32>
    %mul3A_221 = vector.broadcast %get3A_189 : f32 to vector<32x128xf32>
    %mul3A_222 = arith.mulf %get3A_210, %mul3A_221 : vector<32x128xf32>
    %mul3A_223 = vector.broadcast %get3A_195 : f32 to vector<32x128xf32>
    %mul3A_224 = arith.mulf %get3A_213, %mul3A_223 : vector<32x128xf32>
    %add3A_225 = arith.addf %mul3A_222, %mul3A_224 : vector<32x128xf32>
    %add3A_226 = vector.broadcast %get3A_205 : f32 to vector<32x128xf32>
    %add3A_227 = arith.addf %add3A_225, %add3A_226 : vector<32x128xf32>
    %swap3A_228 = arith.constant 0 : index
    %swap3A_229 = arith.constant 0 : index
    %swap3A_230 = vector.load %arg10[%swap3A_228, %swap3A_229] : memref<32x128xf32, #tpu.memory_space<vmem>>, vector<32x128xf32>
    tpu.vector_store %arg10[%swap3A_228, %swap3A_229], %add3A_220 {strides = array<i32>} : memref<32x128xf32, #tpu.memory_space<vmem>>, vector<32x128xf32>,
    %swap3A_231 = arith.constant 0 : index
    %swap3A_232 = arith.constant 0 : index
    %swap3A_233 = vector.load %arg11[%swap3A_231, %swap3A_232] : memref<32x128xf32, #tpu.memory_space<vmem>>, vector<32x128xf32>
    tpu.vector_store %arg11[%swap3A_231, %swap3A_232], %add3A_227 {strides = array<i32>} : memref<32x128xf32, #tpu.memory_space<vmem>>, vector<32x128xf32>,
    %dot_general3A_234 = arith.constant dense<0.000000e+00> : vector<32x384xf32>
    %dot_general3A_235 = tpu.matmul %add3A_220, %get3A_3, %dot_general3A_234 {dimension_numbers = #tpu.dot_dimension_numbers<[1], [0], [0], [1], [0, 0, 1, 1], [], []>, transpose_lhs_hint = false} : vector<32x128xf32>, vector<128x384xf32>, vector<32x384xf32> -> vector<32x384xf32>
    %dot_general3A_236 = arith.constant dense<0.000000e+00> : vector<32x384xf32>
    %dot_general3A_237 = tpu.matmul %add3A_227, %get3A_6, %dot_general3A_236 {dimension_numbers = #tpu.dot_dimension_numbers<[1], [0], [0], [1], [0, 0, 1, 1], [], []>, transpose_lhs_hint = false} : vector<32x128xf32>, vector<128x384xf32>, vector<32x384xf32> -> vector<32x384xf32>
    %add3A_238 = arith.addf %dot_general3A_235, %dot_general3A_237 : vector<32x384xf32>
    %mul3A_239 = vector.broadcast %get3A_207 : f32 to vector<1x384xf32>
    %mul3A_240 = arith.mulf %mul3A_239, %get3A_9 : vector<1x384xf32>
    %add3A_241 = vector.broadcast %mul3A_240 : vector<1x384xf32> to vector<32x384xf32>
    %add3A_242 = arith.addf %add3A_238, %add3A_241 : vector<32x384xf32>
    %swap3A_243 = arith.constant 2 : index
    %swap3A_244 = arith.constant 0 : index
    %swap3A_245 = arith.constant 0 : index
    %swap3A_246 = vector.load %arg9[%swap3A_243, %swap3A_244, %swap3A_245] : memref<8x32x384xf32, #tpu.memory_space<vmem>>, vector<1x32x384xf32>
    %swap3A_247 = vector.shape_cast %swap3A_246 : vector<1x32x384xf32> to vector<32x384xf32>
    %swap3A_248 = vector.shape_cast %add3A_242 : vector<32x384xf32> to vector<1x32x384xf32>
    tpu.vector_store %arg9[%swap3A_243, %swap3A_244, %swap3A_245], %swap3A_248 {strides = array<i32>} : memref<8x32x384xf32, #tpu.memory_space<vmem>>, vector<1x32x384xf32>,
    %mul3A_249 = arith.constant 8 : i32
    %mul3A_250 = arith.muli %arg0, %mul3A_249 : i32
    %add3A_251 = arith.constant 3 : i32
    %add3A_252 = arith.addi %mul3A_250, %add3A_251 : i32
    %get3A_253 = arith.index_cast %add3A_252 : i32 to index
    %get3A_254 = memref.load %arg8[%get3A_253] : memref<1000xi32, #tpu.memory_space<smem>>
    %mul3A_255 = arith.constant 4 : i32
    %mul3A_256 = arith.muli %mul3A_255, %get3A_254 : i32
    %get3A_257 = arith.index_cast %mul3A_256 : i32 to index
    %get3A_258 = memref.load %arg5[%get3A_257] : memref<32xf32, #tpu.memory_space<smem>>
    %mul3A_259 = arith.constant 4 : i32
    %mul3A_260 = arith.muli %mul3A_259, %get3A_254 : i32
    %add3A_261 = arith.constant 1 : i32
    %add3A_262 = arith.addi %mul3A_260, %add3A_261 : i32
    %get3A_263 = arith.index_cast %add3A_262 : i32 to index
    %get3A_264 = memref.load %arg5[%get3A_263] : memref<32xf32, #tpu.memory_space<smem>>
    %mul3A_265 = arith.constant 4 : i32
    %mul3A_266 = arith.muli %mul3A_265, %get3A_254 : i32
    %add3A_267 = arith.constant 2 : i32
    %add3A_268 = arith.addi %mul3A_266, %add3A_267 : i32
    %get3A_269 = arith.index_cast %add3A_268 : i32 to index
    %get3A_270 = memref.load %arg5[%get3A_269] : memref<32xf32, #tpu.memory_space<smem>>
    %mul3A_271 = arith.constant 4 : i32
    %mul3A_272 = arith.muli %mul3A_271, %get3A_254 : i32
    %add3A_273 = arith.constant 3 : i32
    %add3A_274 = arith.addi %mul3A_272, %add3A_273 : i32
    %get3A_275 = arith.index_cast %add3A_274 : i32 to index
    %get3A_276 = memref.load %arg5[%get3A_275] : memref<32xf32, #tpu.memory_space<smem>>
    %mul3A_277 = arith.constant 2 : i32
    %mul3A_278 = arith.muli %mul3A_277, %get3A_254 : i32
    %get3A_279 = arith.index_cast %mul3A_278 : i32 to index
    %get3A_280 = memref.load %arg6[%get3A_279] : memref<16xf32, #tpu.memory_space<smem>>
    %mul3A_281 = arith.constant 2 : i32
    %mul3A_282 = arith.muli %mul3A_281, %get3A_254 : i32
    %add3A_283 = arith.constant 1 : i32
    %add3A_284 = arith.addi %mul3A_282, %add3A_283 : i32
    %get3A_285 = arith.index_cast %add3A_284 : i32 to index
    %get3A_286 = memref.load %arg6[%get3A_285] : memref<16xf32, #tpu.memory_space<smem>>
    %get3A_287 = arith.index_cast %get3A_254 : i32 to index
    %get3A_288 = memref.load %arg7[%get3A_287] : memref<8xf32, #tpu.memory_space<smem>>
    %get3A_289 = arith.constant 0 : index
    %get3A_290 = arith.constant 0 : index
    %get3A_291 = vector.load %arg10[%get3A_289, %get3A_290] : memref<32x128xf32, #tpu.memory_space<vmem>>, vector<32x128xf32>
    %get3A_292 = arith.constant 0 : index
    %get3A_293 = arith.constant 0 : index
    %get3A_294 = vector.load %arg11[%get3A_292, %get3A_293] : memref<32x128xf32, #tpu.memory_space<vmem>>, vector<32x128xf32>
    %mul3A_295 = vector.broadcast %get3A_258 : f32 to vector<32x128xf32>
    %mul3A_296 = arith.mulf %get3A_291, %mul3A_295 : vector<32x128xf32>
    %mul3A_297 = vector.broadcast %get3A_264 : f32 to vector<32x128xf32>
    %mul3A_298 = arith.mulf %get3A_294, %mul3A_297 : vector<32x128xf32>
    %add3A_299 = arith.addf %mul3A_296, %mul3A_298 : vector<32x128xf32>
    %add3A_300 = vector.broadcast %get3A_280 : f32 to vector<32x128xf32>
    %add3A_301 = arith.addf %add3A_299, %add3A_300 : vector<32x128xf32>
    %mul3A_302 = vector.broadcast %get3A_270 : f32 to vector<32x128xf32>
    %mul3A_303 = arith.mulf %get3A_291, %mul3A_302 : vector<32x128xf32>
    %mul3A_304 = vector.broadcast %get3A_276 : f32 to vector<32x128xf32>
    %mul3A_305 = arith.mulf %get3A_294, %mul3A_304 : vector<32x128xf32>
    %add3A_306 = arith.addf %mul3A_303, %mul3A_305 : vector<32x128xf32>
    %add3A_307 = vector.broadcast %get3A_286 : f32 to vector<32x128xf32>
    %add3A_308 = arith.addf %add3A_306, %add3A_307 : vector<32x128xf32>
    %swap3A_309 = arith.constant 0 : index
    %swap3A_310 = arith.constant 0 : index
    %swap3A_311 = vector.load %arg10[%swap3A_309, %swap3A_310] : memref<32x128xf32, #tpu.memory_space<vmem>>, vector<32x128xf32>
    tpu.vector_store %arg10[%swap3A_309, %swap3A_310], %add3A_301 {strides = array<i32>} : memref<32x128xf32, #tpu.memory_space<vmem>>, vector<32x128xf32>,
    %swap3A_312 = arith.constant 0 : index
    %swap3A_313 = arith.constant 0 : index
    %swap3A_314 = vector.load %arg11[%swap3A_312, %swap3A_313] : memref<32x128xf32, #tpu.memory_space<vmem>>, vector<32x128xf32>
    tpu.vector_store %arg11[%swap3A_312, %swap3A_313], %add3A_308 {strides = array<i32>} : memref<32x128xf32, #tpu.memory_space<vmem>>, vector<32x128xf32>,
    %dot_general3A_315 = arith.constant dense<0.000000e+00> : vector<32x384xf32>
    %dot_general3A_316 = tpu.matmul %add3A_301, %get3A_3, %dot_general3A_315 {dimension_numbers = #tpu.dot_dimension_numbers<[1], [0], [0], [1], [0, 0, 1, 1], [], []>, transpose_lhs_hint = false} : vector<32x128xf32>, vector<128x384xf32>, vector<32x384xf32> -> vector<32x384xf32>
    %dot_general3A_317 = arith.constant dense<0.000000e+00> : vector<32x384xf32>
    %dot_general3A_318 = tpu.matmul %add3A_308, %get3A_6, %dot_general3A_317 {dimension_numbers = #tpu.dot_dimension_numbers<[1], [0], [0], [1], [0, 0, 1, 1], [], []>, transpose_lhs_hint = false} : vector<32x128xf32>, vector<128x384xf32>, vector<32x384xf32> -> vector<32x384xf32>
    %add3A_319 = arith.addf %dot_general3A_316, %dot_general3A_318 : vector<32x384xf32>
    %mul3A_320 = vector.broadcast %get3A_288 : f32 to vector<1x384xf32>
    %mul3A_321 = arith.mulf %mul3A_320, %get3A_9 : vector<1x384xf32>
    %add3A_322 = vector.broadcast %mul3A_321 : vector<1x384xf32> to vector<32x384xf32>
    %add3A_323 = arith.addf %add3A_319, %add3A_322 : vector<32x384xf32>
    %swap3A_324 = arith.constant 3 : index
    %swap3A_325 = arith.constant 0 : index
    %swap3A_326 = arith.constant 0 : index
    %swap3A_327 = vector.load %arg9[%swap3A_324, %swap3A_325, %swap3A_326] : memref<8x32x384xf32, #tpu.memory_space<vmem>>, vector<1x32x384xf32>
    %swap3A_328 = vector.shape_cast %swap3A_327 : vector<1x32x384xf32> to vector<32x384xf32>
    %swap3A_329 = vector.shape_cast %add3A_323 : vector<32x384xf32> to vector<1x32x384xf32>
    tpu.vector_store %arg9[%swap3A_324, %swap3A_325, %swap3A_326], %swap3A_329 {strides = array<i32>} : memref<8x32x384xf32, #tpu.memory_space<vmem>>, vector<1x32x384xf32>,
    %mul3A_330 = arith.constant 8 : i32
    %mul3A_331 = arith.muli %arg0, %mul3A_330 : i32
    %add3A_332 = arith.constant 4 : i32
    %add3A_333 = arith.addi %mul3A_331, %add3A_332 : i32
    %get3A_334 = arith.index_cast %add3A_333 : i32 to index
    %get3A_335 = memref.load %arg8[%get3A_334] : memref<1000xi32, #tpu.memory_space<smem>>
    %mul3A_336 = arith.constant 4 : i32
    %mul3A_337 = arith.muli %mul3A_336, %get3A_335 : i32
    %get3A_338 = arith.index_cast %mul3A_337 : i32 to index
    %get3A_339 = memref.load %arg5[%get3A_338] : memref<32xf32, #tpu.memory_space<smem>>
    %mul3A_340 = arith.constant 4 : i32
    %mul3A_341 = arith.muli %mul3A_340, %get3A_335 : i32
    %add3A_342 = arith.constant 1 : i32
    %add3A_343 = arith.addi %mul3A_341, %add3A_342 : i32
    %get3A_344 = arith.index_cast %add3A_343 : i32 to index
    %get3A_345 = memref.load %arg5[%get3A_344] : memref<32xf32, #tpu.memory_space<smem>>
    %mul3A_346 = arith.constant 4 : i32
    %mul3A_347 = arith.muli %mul3A_346, %get3A_335 : i32
    %add3A_348 = arith.constant 2 : i32
    %add3A_349 = arith.addi %mul3A_347, %add3A_348 : i32
    %get3A_350 = arith.index_cast %add3A_349 : i32 to index
    %get3A_351 = memref.load %arg5[%get3A_350] : memref<32xf32, #tpu.memory_space<smem>>
    %mul3A_352 = arith.constant 4 : i32
    %mul3A_353 = arith.muli %mul3A_352, %get3A_335 : i32
    %add3A_354 = arith.constant 3 : i32
    %add3A_355 = arith.addi %mul3A_353, %add3A_354 : i32
    %get3A_356 = arith.index_cast %add3A_355 : i32 to index
    %get3A_357 = memref.load %arg5[%get3A_356] : memref<32xf32, #tpu.memory_space<smem>>
    %mul3A_358 = arith.constant 2 : i32
    %mul3A_359 = arith.muli %mul3A_358, %get3A_335 : i32
    %get3A_360 = arith.index_cast %mul3A_359 : i32 to index
    %get3A_361 = memref.load %arg6[%get3A_360] : memref<16xf32, #tpu.memory_space<smem>>
    %mul3A_362 = arith.constant 2 : i32
    %mul3A_363 = arith.muli %mul3A_362, %get3A_335 : i32
    %add3A_364 = arith.constant 1 : i32
    %add3A_365 = arith.addi %mul3A_363, %add3A_364 : i32
    %get3A_366 = arith.index_cast %add3A_365 : i32 to index
    %get3A_367 = memref.load %arg6[%get3A_366] : memref<16xf32, #tpu.memory_space<smem>>
    %get3A_368 = arith.index_cast %get3A_335 : i32 to index
    %get3A_369 = memref.load %arg7[%get3A_368] : memref<8xf32, #tpu.memory_space<smem>>
    %get3A_370 = arith.constant 0 : index
    %get3A_371 = arith.constant 0 : index
    %get3A_372 = vector.load %arg10[%get3A_370, %get3A_371] : memref<32x128xf32, #tpu.memory_space<vmem>>, vector<32x128xf32>
    %get3A_373 = arith.constant 0 : index
    %get3A_374 = arith.constant 0 : index
    %get3A_375 = vector.load %arg11[%get3A_373, %get3A_374] : memref<32x128xf32, #tpu.memory_space<vmem>>, vector<32x128xf32>
    %mul3A_376 = vector.broadcast %get3A_339 : f32 to vector<32x128xf32>
    %mul3A_377 = arith.mulf %get3A_372, %mul3A_376 : vector<32x128xf32>
    %mul3A_378 = vector.broadcast %get3A_345 : f32 to vector<32x128xf32>
    %mul3A_379 = arith.mulf %get3A_375, %mul3A_378 : vector<32x128xf32>
    %add3A_380 = arith.addf %mul3A_377, %mul3A_379 : vector<32x128xf32>
    %add3A_381 = vector.broadcast %get3A_361 : f32 to vector<32x128xf32>
    %add3A_382 = arith.addf %add3A_380, %add3A_381 : vector<32x128xf32>
    %mul3A_383 = vector.broadcast %get3A_351 : f32 to vector<32x128xf32>
    %mul3A_384 = arith.mulf %get3A_372, %mul3A_383 : vector<32x128xf32>
    %mul3A_385 = vector.broadcast %get3A_357 : f32 to vector<32x128xf32>
    %mul3A_386 = arith.mulf %get3A_375, %mul3A_385 : vector<32x128xf32>
    %add3A_387 = arith.addf %mul3A_384, %mul3A_386 : vector<32x128xf32>
    %add3A_388 = vector.broadcast %get3A_367 : f32 to vector<32x128xf32>
    %add3A_389 = arith.addf %add3A_387, %add3A_388 : vector<32x128xf32>
    %swap3A_390 = arith.constant 0 : index
    %swap3A_391 = arith.constant 0 : index
    %swap3A_392 = vector.load %arg10[%swap3A_390, %swap3A_391] : memref<32x128xf32, #tpu.memory_space<vmem>>, vector<32x128xf32>
    tpu.vector_store %arg10[%swap3A_390, %swap3A_391], %add3A_382 {strides = array<i32>} : memref<32x128xf32, #tpu.memory_space<vmem>>, vector<32x128xf32>,
    %swap3A_393 = arith.constant 0 : index
    %swap3A_394 = arith.constant 0 : index
    %swap3A_395 = vector.load %arg11[%swap3A_393, %swap3A_394] : memref<32x128xf32, #tpu.memory_space<vmem>>, vector<32x128xf32>
    tpu.vector_store %arg11[%swap3A_393, %swap3A_394], %add3A_389 {strides = array<i32>} : memref<32x128xf32, #tpu.memory_space<vmem>>, vector<32x128xf32>,
    %dot_general3A_396 = arith.constant dense<0.000000e+00> : vector<32x384xf32>
    %dot_general3A_397 = tpu.matmul %add3A_382, %get3A_3, %dot_general3A_396 {dimension_numbers = #tpu.dot_dimension_numbers<[1], [0], [0], [1], [0, 0, 1, 1], [], []>, transpose_lhs_hint = false} : vector<32x128xf32>, vector<128x384xf32>, vector<32x384xf32> -> vector<32x384xf32>
    %dot_general3A_398 = arith.constant dense<0.000000e+00> : vector<32x384xf32>
    %dot_general3A_399 = tpu.matmul %add3A_389, %get3A_6, %dot_general3A_398 {dimension_numbers = #tpu.dot_dimension_numbers<[1], [0], [0], [1], [0, 0, 1, 1], [], []>, transpose_lhs_hint = false} : vector<32x128xf32>, vector<128x384xf32>, vector<32x384xf32> -> vector<32x384xf32>
    %add3A_400 = arith.addf %dot_general3A_397, %dot_general3A_399 : vector<32x384xf32>
    %mul3A_401 = vector.broadcast %get3A_369 : f32 to vector<1x384xf32>
    %mul3A_402 = arith.mulf %mul3A_401, %get3A_9 : vector<1x384xf32>
    %add3A_403 = vector.broadcast %mul3A_402 : vector<1x384xf32> to vector<32x384xf32>
    %add3A_404 = arith.addf %add3A_400, %add3A_403 : vector<32x384xf32>
    %swap3A_405 = arith.constant 4 : index
    %swap3A_406 = arith.constant 0 : index
    %swap3A_407 = arith.constant 0 : index
    %swap3A_408 = vector.load %arg9[%swap3A_405, %swap3A_406, %swap3A_407] : memref<8x32x384xf32, #tpu.memory_space<vmem>>, vector<1x32x384xf32>
    %swap3A_409 = vector.shape_cast %swap3A_408 : vector<1x32x384xf32> to vector<32x384xf32>
    %swap3A_410 = vector.shape_cast %add3A_404 : vector<32x384xf32> to vector<1x32x384xf32>
    tpu.vector_store %arg9[%swap3A_405, %swap3A_406, %swap3A_407], %swap3A_410 {strides = array<i32>} : memref<8x32x384xf32, #tpu.memory_space<vmem>>, vector<1x32x384xf32>,
    %mul3A_411 = arith.constant 8 : i32
    %mul3A_412 = arith.muli %arg0, %mul3A_411 : i32
    %add3A_413 = arith.constant 5 : i32
    %add3A_414 = arith.addi %mul3A_412, %add3A_413 : i32
    %get3A_415 = arith.index_cast %add3A_414 : i32 to index
    %get3A_416 = memref.load %arg8[%get3A_415] : memref<1000xi32, #tpu.memory_space<smem>>
    %mul3A_417 = arith.constant 4 : i32
    %mul3A_418 = arith.muli %mul3A_417, %get3A_416 : i32
    %get3A_419 = arith.index_cast %mul3A_418 : i32 to index
    %get3A_420 = memref.load %arg5[%get3A_419] : memref<32xf32, #tpu.memory_space<smem>>
    %mul3A_421 = arith.constant 4 : i32
    %mul3A_422 = arith.muli %mul3A_421, %get3A_416 : i32
    %add3A_423 = arith.constant 1 : i32
    %add3A_424 = arith.addi %mul3A_422, %add3A_423 : i32
    %get3A_425 = arith.index_cast %add3A_424 : i32 to index
    %get3A_426 = memref.load %arg5[%get3A_425] : memref<32xf32, #tpu.memory_space<smem>>
    %mul3A_427 = arith.constant 4 : i32
    %mul3A_428 = arith.muli %mul3A_427, %get3A_416 : i32
    %add3A_429 = arith.constant 2 : i32
    %add3A_430 = arith.addi %mul3A_428, %add3A_429 : i32
    %get3A_431 = arith.index_cast %add3A_430 : i32 to index
    %get3A_432 = memref.load %arg5[%get3A_431] : memref<32xf32, #tpu.memory_space<smem>>
    %mul3A_433 = arith.constant 4 : i32
    %mul3A_434 = arith.muli %mul3A_433, %get3A_416 : i32
    %add3A_435 = arith.constant 3 : i32
    %add3A_436 = arith.addi %mul3A_434, %add3A_435 : i32
    %get3A_437 = arith.index_cast %add3A_436 : i32 to index
    %get3A_438 = memref.load %arg5[%get3A_437] : memref<32xf32, #tpu.memory_space<smem>>
    %mul3A_439 = arith.constant 2 : i32
    %mul3A_440 = arith.muli %mul3A_439, %get3A_416 : i32
    %get3A_441 = arith.index_cast %mul3A_440 : i32 to index
    %get3A_442 = memref.load %arg6[%get3A_441] : memref<16xf32, #tpu.memory_space<smem>>
    %mul3A_443 = arith.constant 2 : i32
    %mul3A_444 = arith.muli %mul3A_443, %get3A_416 : i32
    %add3A_445 = arith.constant 1 : i32
    %add3A_446 = arith.addi %mul3A_444, %add3A_445 : i32
    %get3A_447 = arith.index_cast %add3A_446 : i32 to index
    %get3A_448 = memref.load %arg6[%get3A_447] : memref<16xf32, #tpu.memory_space<smem>>
    %get3A_449 = arith.index_cast %get3A_416 : i32 to index
    %get3A_450 = memref.load %arg7[%get3A_449] : memref<8xf32, #tpu.memory_space<smem>>
    %get3A_451 = arith.constant 0 : index
    %get3A_452 = arith.constant 0 : index
    %get3A_453 = vector.load %arg10[%get3A_451, %get3A_452] : memref<32x128xf32, #tpu.memory_space<vmem>>, vector<32x128xf32>
    %get3A_454 = arith.constant 0 : index
    %get3A_455 = arith.constant 0 : index
    %get3A_456 = vector.load %arg11[%get3A_454, %get3A_455] : memref<32x128xf32, #tpu.memory_space<vmem>>, vector<32x128xf32>
    %mul3A_457 = vector.broadcast %get3A_420 : f32 to vector<32x128xf32>
    %mul3A_458 = arith.mulf %get3A_453, %mul3A_457 : vector<32x128xf32>
    %mul3A_459 = vector.broadcast %get3A_426 : f32 to vector<32x128xf32>
    %mul3A_460 = arith.mulf %get3A_456, %mul3A_459 : vector<32x128xf32>
    %add3A_461 = arith.addf %mul3A_458, %mul3A_460 : vector<32x128xf32>
    %add3A_462 = vector.broadcast %get3A_442 : f32 to vector<32x128xf32>
    %add3A_463 = arith.addf %add3A_461, %add3A_462 : vector<32x128xf32>
    %mul3A_464 = vector.broadcast %get3A_432 : f32 to vector<32x128xf32>
    %mul3A_465 = arith.mulf %get3A_453, %mul3A_464 : vector<32x128xf32>
    %mul3A_466 = vector.broadcast %get3A_438 : f32 to vector<32x128xf32>
    %mul3A_467 = arith.mulf %get3A_456, %mul3A_466 : vector<32x128xf32>
    %add3A_468 = arith.addf %mul3A_465, %mul3A_467 : vector<32x128xf32>
    %add3A_469 = vector.broadcast %get3A_448 : f32 to vector<32x128xf32>
    %add3A_470 = arith.addf %add3A_468, %add3A_469 : vector<32x128xf32>
    %swap3A_471 = arith.constant 0 : index
    %swap3A_472 = arith.constant 0 : index
    %swap3A_473 = vector.load %arg10[%swap3A_471, %swap3A_472] : memref<32x128xf32, #tpu.memory_space<vmem>>, vector<32x128xf32>
    tpu.vector_store %arg10[%swap3A_471, %swap3A_472], %add3A_463 {strides = array<i32>} : memref<32x128xf32, #tpu.memory_space<vmem>>, vector<32x128xf32>,
    %swap3A_474 = arith.constant 0 : index
    %swap3A_475 = arith.constant 0 : index
    %swap3A_476 = vector.load %arg11[%swap3A_474, %swap3A_475] : memref<32x128xf32, #tpu.memory_space<vmem>>, vector<32x128xf32>
    tpu.vector_store %arg11[%swap3A_474, %swap3A_475], %add3A_470 {strides = array<i32>} : memref<32x128xf32, #tpu.memory_space<vmem>>, vector<32x128xf32>,
    %dot_general3A_477 = arith.constant dense<0.000000e+00> : vector<32x384xf32>
    %dot_general3A_478 = tpu.matmul %add3A_463, %get3A_3, %dot_general3A_477 {dimension_numbers = #tpu.dot_dimension_numbers<[1], [0], [0], [1], [0, 0, 1, 1], [], []>, transpose_lhs_hint = false} : vector<32x128xf32>, vector<128x384xf32>, vector<32x384xf32> -> vector<32x384xf32>
    %dot_general3A_479 = arith.constant dense<0.000000e+00> : vector<32x384xf32>
    %dot_general3A_480 = tpu.matmul %add3A_470, %get3A_6, %dot_general3A_479 {dimension_numbers = #tpu.dot_dimension_numbers<[1], [0], [0], [1], [0, 0, 1, 1], [], []>, transpose_lhs_hint = false} : vector<32x128xf32>, vector<128x384xf32>, vector<32x384xf32> -> vector<32x384xf32>
    %add3A_481 = arith.addf %dot_general3A_478, %dot_general3A_480 : vector<32x384xf32>
    %mul3A_482 = vector.broadcast %get3A_450 : f32 to vector<1x384xf32>
    %mul3A_483 = arith.mulf %mul3A_482, %get3A_9 : vector<1x384xf32>
    %add3A_484 = vector.broadcast %mul3A_483 : vector<1x384xf32> to vector<32x384xf32>
    %add3A_485 = arith.addf %add3A_481, %add3A_484 : vector<32x384xf32>
    %swap3A_486 = arith.constant 5 : index
    %swap3A_487 = arith.constant 0 : index
    %swap3A_488 = arith.constant 0 : index
    %swap3A_489 = vector.load %arg9[%swap3A_486, %swap3A_487, %swap3A_488] : memref<8x32x384xf32, #tpu.memory_space<vmem>>, vector<1x32x384xf32>
    %swap3A_490 = vector.shape_cast %swap3A_489 : vector<1x32x384xf32> to vector<32x384xf32>
    %swap3A_491 = vector.shape_cast %add3A_485 : vector<32x384xf32> to vector<1x32x384xf32>
    tpu.vector_store %arg9[%swap3A_486, %swap3A_487, %swap3A_488], %swap3A_491 {strides = array<i32>} : memref<8x32x384xf32, #tpu.memory_space<vmem>>, vector<1x32x384xf32>,
    %mul3A_492 = arith.constant 8 : i32
    %mul3A_493 = arith.muli %arg0, %mul3A_492 : i32
    %add3A_494 = arith.constant 6 : i32
    %add3A_495 = arith.addi %mul3A_493, %add3A_494 : i32
    %get3A_496 = arith.index_cast %add3A_495 : i32 to index
    %get3A_497 = memref.load %arg8[%get3A_496] : memref<1000xi32, #tpu.memory_space<smem>>
    %mul3A_498 = arith.constant 4 : i32
    %mul3A_499 = arith.muli %mul3A_498, %get3A_497 : i32
    %get3A_500 = arith.index_cast %mul3A_499 : i32 to index
    %get3A_501 = memref.load %arg5[%get3A_500] : memref<32xf32, #tpu.memory_space<smem>>
    %mul3A_502 = arith.constant 4 : i32
    %mul3A_503 = arith.muli %mul3A_502, %get3A_497 : i32
    %add3A_504 = arith.constant 1 : i32
    %add3A_505 = arith.addi %mul3A_503, %add3A_504 : i32
    %get3A_506 = arith.index_cast %add3A_505 : i32 to index
    %get3A_507 = memref.load %arg5[%get3A_506] : memref<32xf32, #tpu.memory_space<smem>>
    %mul3A_508 = arith.constant 4 : i32
    %mul3A_509 = arith.muli %mul3A_508, %get3A_497 : i32
    %add3A_510 = arith.constant 2 : i32
    %add3A_511 = arith.addi %mul3A_509, %add3A_510 : i32
    %get3A_512 = arith.index_cast %add3A_511 : i32 to index
    %get3A_513 = memref.load %arg5[%get3A_512] : memref<32xf32, #tpu.memory_space<smem>>
    %mul3A_514 = arith.constant 4 : i32
    %mul3A_515 = arith.muli %mul3A_514, %get3A_497 : i32
    %add3A_516 = arith.constant 3 : i32
    %add3A_517 = arith.addi %mul3A_515, %add3A_516 : i32
    %get3A_518 = arith.index_cast %add3A_517 : i32 to index
    %get3A_519 = memref.load %arg5[%get3A_518] : memref<32xf32, #tpu.memory_space<smem>>
    %mul3A_520 = arith.constant 2 : i32
    %mul3A_521 = arith.muli %mul3A_520, %get3A_497 : i32
    %get3A_522 = arith.index_cast %mul3A_521 : i32 to index
    %get3A_523 = memref.load %arg6[%get3A_522] : memref<16xf32, #tpu.memory_space<smem>>
    %mul3A_524 = arith.constant 2 : i32
    %mul3A_525 = arith.muli %mul3A_524, %get3A_497 : i32
    %add3A_526 = arith.constant 1 : i32
    %add3A_527 = arith.addi %mul3A_525, %add3A_526 : i32
    %get3A_528 = arith.index_cast %add3A_527 : i32 to index
    %get3A_529 = memref.load %arg6[%get3A_528] : memref<16xf32, #tpu.memory_space<smem>>
    %get3A_530 = arith.index_cast %get3A_497 : i32 to index
    %get3A_531 = memref.load %arg7[%get3A_530] : memref<8xf32, #tpu.memory_space<smem>>
    %get3A_532 = arith.constant 0 : index
    %get3A_533 = arith.constant 0 : index
    %get3A_534 = vector.load %arg10[%get3A_532, %get3A_533] : memref<32x128xf32, #tpu.memory_space<vmem>>, vector<32x128xf32>
    %get3A_535 = arith.constant 0 : index
    %get3A_536 = arith.constant 0 : index
    %get3A_537 = vector.load %arg11[%get3A_535, %get3A_536] : memref<32x128xf32, #tpu.memory_space<vmem>>, vector<32x128xf32>
    %mul3A_538 = vector.broadcast %get3A_501 : f32 to vector<32x128xf32>
    %mul3A_539 = arith.mulf %get3A_534, %mul3A_538 : vector<32x128xf32>
    %mul3A_540 = vector.broadcast %get3A_507 : f32 to vector<32x128xf32>
    %mul3A_541 = arith.mulf %get3A_537, %mul3A_540 : vector<32x128xf32>
    %add3A_542 = arith.addf %mul3A_539, %mul3A_541 : vector<32x128xf32>
    %add3A_543 = vector.broadcast %get3A_523 : f32 to vector<32x128xf32>
    %add3A_544 = arith.addf %add3A_542, %add3A_543 : vector<32x128xf32>
    %mul3A_545 = vector.broadcast %get3A_513 : f32 to vector<32x128xf32>
    %mul3A_546 = arith.mulf %get3A_534, %mul3A_545 : vector<32x128xf32>
    %mul3A_547 = vector.broadcast %get3A_519 : f32 to vector<32x128xf32>
    %mul3A_548 = arith.mulf %get3A_537, %mul3A_547 : vector<32x128xf32>
    %add3A_549 = arith.addf %mul3A_546, %mul3A_548 : vector<32x128xf32>
    %add3A_550 = vector.broadcast %get3A_529 : f32 to vector<32x128xf32>
    %add3A_551 = arith.addf %add3A_549, %add3A_550 : vector<32x128xf32>
    %swap3A_552 = arith.constant 0 : index
    %swap3A_553 = arith.constant 0 : index
    %swap3A_554 = vector.load %arg10[%swap3A_552, %swap3A_553] : memref<32x128xf32, #tpu.memory_space<vmem>>, vector<32x128xf32>
    tpu.vector_store %arg10[%swap3A_552, %swap3A_553], %add3A_544 {strides = array<i32>} : memref<32x128xf32, #tpu.memory_space<vmem>>, vector<32x128xf32>,
    %swap3A_555 = arith.constant 0 : index
    %swap3A_556 = arith.constant 0 : index
    %swap3A_557 = vector.load %arg11[%swap3A_555, %swap3A_556] : memref<32x128xf32, #tpu.memory_space<vmem>>, vector<32x128xf32>
    tpu.vector_store %arg11[%swap3A_555, %swap3A_556], %add3A_551 {strides = array<i32>} : memref<32x128xf32, #tpu.memory_space<vmem>>, vector<32x128xf32>,
    %dot_general3A_558 = arith.constant dense<0.000000e+00> : vector<32x384xf32>
    %dot_general3A_559 = tpu.matmul %add3A_544, %get3A_3, %dot_general3A_558 {dimension_numbers = #tpu.dot_dimension_numbers<[1], [0], [0], [1], [0, 0, 1, 1], [], []>, transpose_lhs_hint = false} : vector<32x128xf32>, vector<128x384xf32>, vector<32x384xf32> -> vector<32x384xf32>
    %dot_general3A_560 = arith.constant dense<0.000000e+00> : vector<32x384xf32>
    %dot_general3A_561 = tpu.matmul %add3A_551, %get3A_6, %dot_general3A_560 {dimension_numbers = #tpu.dot_dimension_numbers<[1], [0], [0], [1], [0, 0, 1, 1], [], []>, transpose_lhs_hint = false} : vector<32x128xf32>, vector<128x384xf32>, vector<32x384xf32> -> vector<32x384xf32>
    %add3A_562 = arith.addf %dot_general3A_559, %dot_general3A_561 : vector<32x384xf32>
    %mul3A_563 = vector.broadcast %get3A_531 : f32 to vector<1x384xf32>
    %mul3A_564 = arith.mulf %mul3A_563, %get3A_9 : vector<1x384xf32>
    %add3A_565 = vector.broadcast %mul3A_564 : vector<1x384xf32> to vector<32x384xf32>
    %add3A_566 = arith.addf %add3A_562, %add3A_565 : vector<32x384xf32>
    %swap3A_567 = arith.constant 6 : index
    %swap3A_568 = arith.constant 0 : index
    %swap3A_569 = arith.constant 0 : index
    %swap3A_570 = vector.load %arg9[%swap3A_567, %swap3A_568, %swap3A_569] : memref<8x32x384xf32, #tpu.memory_space<vmem>>, vector<1x32x384xf32>
    %swap3A_571 = vector.shape_cast %swap3A_570 : vector<1x32x384xf32> to vector<32x384xf32>
    %swap3A_572 = vector.shape_cast %add3A_566 : vector<32x384xf32> to vector<1x32x384xf32>
    tpu.vector_store %arg9[%swap3A_567, %swap3A_568, %swap3A_569], %swap3A_572 {strides = array<i32>} : memref<8x32x384xf32, #tpu.memory_space<vmem>>, vector<1x32x384xf32>,
    %mul3A_573 = arith.constant 8 : i32
    %mul3A_574 = arith.muli %arg0, %mul3A_573 : i32
    %add3A_575 = arith.constant 7 : i32
    %add3A_576 = arith.addi %mul3A_574, %add3A_575 : i32
    %get3A_577 = arith.index_cast %add3A_576 : i32 to index
    %get3A_578 = memref.load %arg8[%get3A_577] : memref<1000xi32, #tpu.memory_space<smem>>
    %mul3A_579 = arith.constant 4 : i32
    %mul3A_580 = arith.muli %mul3A_579, %get3A_578 : i32
    %get3A_581 = arith.index_cast %mul3A_580 : i32 to index
    %get3A_582 = memref.load %arg5[%get3A_581] : memref<32xf32, #tpu.memory_space<smem>>
    %mul3A_583 = arith.constant 4 : i32
    %mul3A_584 = arith.muli %mul3A_583, %get3A_578 : i32
    %add3A_585 = arith.constant 1 : i32
    %add3A_586 = arith.addi %mul3A_584, %add3A_585 : i32
    %get3A_587 = arith.index_cast %add3A_586 : i32 to index
    %get3A_588 = memref.load %arg5[%get3A_587] : memref<32xf32, #tpu.memory_space<smem>>
    %mul3A_589 = arith.constant 4 : i32
    %mul3A_590 = arith.muli %mul3A_589, %get3A_578 : i32
    %add3A_591 = arith.constant 2 : i32
    %add3A_592 = arith.addi %mul3A_590, %add3A_591 : i32
    %get3A_593 = arith.index_cast %add3A_592 : i32 to index
    %get3A_594 = memref.load %arg5[%get3A_593] : memref<32xf32, #tpu.memory_space<smem>>
    %mul3A_595 = arith.constant 4 : i32
    %mul3A_596 = arith.muli %mul3A_595, %get3A_578 : i32
    %add3A_597 = arith.constant 3 : i32
    %add3A_598 = arith.addi %mul3A_596, %add3A_597 : i32
    %get3A_599 = arith.index_cast %add3A_598 : i32 to index
    %get3A_600 = memref.load %arg5[%get3A_599] : memref<32xf32, #tpu.memory_space<smem>>
    %mul3A_601 = arith.constant 2 : i32
    %mul3A_602 = arith.muli %mul3A_601, %get3A_578 : i32
    %get3A_603 = arith.index_cast %mul3A_602 : i32 to index
    %get3A_604 = memref.load %arg6[%get3A_603] : memref<16xf32, #tpu.memory_space<smem>>
    %mul3A_605 = arith.constant 2 : i32
    %mul3A_606 = arith.muli %mul3A_605, %get3A_578 : i32
    %add3A_607 = arith.constant 1 : i32
    %add3A_608 = arith.addi %mul3A_606, %add3A_607 : i32
    %get3A_609 = arith.index_cast %add3A_608 : i32 to index
    %get3A_610 = memref.load %arg6[%get3A_609] : memref<16xf32, #tpu.memory_space<smem>>
    %get3A_611 = arith.index_cast %get3A_578 : i32 to index
    %get3A_612 = memref.load %arg7[%get3A_611] : memref<8xf32, #tpu.memory_space<smem>>
    %get3A_613 = arith.constant 0 : index
    %get3A_614 = arith.constant 0 : index
    %get3A_615 = vector.load %arg10[%get3A_613, %get3A_614] : memref<32x128xf32, #tpu.memory_space<vmem>>, vector<32x128xf32>
    %get3A_616 = arith.constant 0 : index
    %get3A_617 = arith.constant 0 : index
    %get3A_618 = vector.load %arg11[%get3A_616, %get3A_617] : memref<32x128xf32, #tpu.memory_space<vmem>>, vector<32x128xf32>
    %mul3A_619 = vector.broadcast %get3A_582 : f32 to vector<32x128xf32>
    %mul3A_620 = arith.mulf %get3A_615, %mul3A_619 : vector<32x128xf32>
    %mul3A_621 = vector.broadcast %get3A_588 : f32 to vector<32x128xf32>
    %mul3A_622 = arith.mulf %get3A_618, %mul3A_621 : vector<32x128xf32>
    %add3A_623 = arith.addf %mul3A_620, %mul3A_622 : vector<32x128xf32>
    %add3A_624 = vector.broadcast %get3A_604 : f32 to vector<32x128xf32>
    %add3A_625 = arith.addf %add3A_623, %add3A_624 : vector<32x128xf32>
    %mul3A_626 = vector.broadcast %get3A_594 : f32 to vector<32x128xf32>
    %mul3A_627 = arith.mulf %get3A_615, %mul3A_626 : vector<32x128xf32>
    %mul3A_628 = vector.broadcast %get3A_600 : f32 to vector<32x128xf32>
    %mul3A_629 = arith.mulf %get3A_618, %mul3A_628 : vector<32x128xf32>
    %add3A_630 = arith.addf %mul3A_627, %mul3A_629 : vector<32x128xf32>
    %add3A_631 = vector.broadcast %get3A_610 : f32 to vector<32x128xf32>
    %add3A_632 = arith.addf %add3A_630, %add3A_631 : vector<32x128xf32>
    %swap3A_633 = arith.constant 0 : index
    %swap3A_634 = arith.constant 0 : index
    %swap3A_635 = vector.load %arg10[%swap3A_633, %swap3A_634] : memref<32x128xf32, #tpu.memory_space<vmem>>, vector<32x128xf32>
    tpu.vector_store %arg10[%swap3A_633, %swap3A_634], %add3A_625 {strides = array<i32>} : memref<32x128xf32, #tpu.memory_space<vmem>>, vector<32x128xf32>,
    %swap3A_636 = arith.constant 0 : index
    %swap3A_637 = arith.constant 0 : index
    %swap3A_638 = vector.load %arg11[%swap3A_636, %swap3A_637] : memref<32x128xf32, #tpu.memory_space<vmem>>, vector<32x128xf32>
    tpu.vector_store %arg11[%swap3A_636, %swap3A_637], %add3A_632 {strides = array<i32>} : memref<32x128xf32, #tpu.memory_space<vmem>>, vector<32x128xf32>,
    %dot_general3A_639 = arith.constant dense<0.000000e+00> : vector<32x384xf32>
    %dot_general3A_640 = tpu.matmul %add3A_625, %get3A_3, %dot_general3A_639 {dimension_numbers = #tpu.dot_dimension_numbers<[1], [0], [0], [1], [0, 0, 1, 1], [], []>, transpose_lhs_hint = false} : vector<32x128xf32>, vector<128x384xf32>, vector<32x384xf32> -> vector<32x384xf32>
    %dot_general3A_641 = arith.constant dense<0.000000e+00> : vector<32x384xf32>
    %dot_general3A_642 = tpu.matmul %add3A_632, %get3A_6, %dot_general3A_641 {dimension_numbers = #tpu.dot_dimension_numbers<[1], [0], [0], [1], [0, 0, 1, 1], [], []>, transpose_lhs_hint = false} : vector<32x128xf32>, vector<128x384xf32>, vector<32x384xf32> -> vector<32x384xf32>
    %add3A_643 = arith.addf %dot_general3A_640, %dot_general3A_642 : vector<32x384xf32>
    %mul3A_644 = vector.broadcast %get3A_612 : f32 to vector<1x384xf32>
    %mul3A_645 = arith.mulf %mul3A_644, %get3A_9 : vector<1x384xf32>
    %add3A_646 = vector.broadcast %mul3A_645 : vector<1x384xf32> to vector<32x384xf32>
    %add3A_647 = arith.addf %add3A_643, %add3A_646 : vector<32x384xf32>
    %swap3A_648 = arith.constant 7 : index
    %swap3A_649 = arith.constant 0 : index
    %swap3A_650 = arith.constant 0 : index
    %swap3A_651 = vector.load %arg9[%swap3A_648, %swap3A_649, %swap3A_650] : memref<8x32x384xf32, #tpu.memory_space<vmem>>, vector<1x32x384xf32>
    %swap3A_652 = vector.shape_cast %swap3A_651 : vector<1x32x384xf32> to vector<32x384xf32>
    %swap3A_653 = vector.shape_cast %add3A_647 : vector<32x384xf32> to vector<1x32x384xf32>
    tpu.vector_store %arg9[%swap3A_648, %swap3A_649, %swap3A_650], %swap3A_653 {strides = array<i32>} : memref<8x32x384xf32, #tpu.memory_space<vmem>>, vector<1x32x384xf32>,
    return
  }
  func.func @transform_0(%arg0: i32) -> (i32, i32, i32) {
    %c0_i32 = arith.constant 0 : i32
    %c0_i32_0 = arith.constant 0 : i32
    %c0_i32_1 = arith.constant 0 : i32
    %c0_i32_2 = arith.constant 0 : i32
    return %c0_i32, %c0_i32_0, %c0_i32_1 : i32, i32, i32
  }
  func.func @transform_1(%arg0: i32) -> (i32, i32) {
    %c0_i32 = arith.constant 0 : i32
    %c0_i32_0 = arith.constant 0 : i32
    %c0_i32_1 = arith.constant 0 : i32
    return %c0_i32, %c0_i32_0 : i32, i32
  }
  func.func @transform_2(%arg0: i32) -> (i32, i32) {
    %c0_i32 = arith.constant 0 : i32
    %c0_i32_0 = arith.constant 0 : i32
    %c0_i32_1 = arith.constant 0 : i32
    return %c0_i32, %c0_i32_0 : i32, i32
  }
  func.func @transform_3(%arg0: i32) -> (i32, i32) {
    %c0_i32 = arith.constant 0 : i32
    %c0_i32_0 = arith.constant 0 : i32
    %c0_i32_1 = arith.constant 0 : i32
    return %c0_i32, %c0_i32_0 : i32, i32
  }
  func.func @transform_4(%arg0: i32) -> i32 {
    %c0_i32 = arith.constant 0 : i32
    %c0_i32_0 = arith.constant 0 : i32
    return %c0_i32 : i32
  }
  func.func @transform_5(%arg0: i32) -> i32 {
    %c0_i32 = arith.constant 0 : i32
    %c0_i32_0 = arith.constant 0 : i32
    return %c0_i32 : i32
  }
  func.func @transform_6(%arg0: i32) -> i32 {
    %c0_i32 = arith.constant 0 : i32
    %c0_i32_0 = arith.constant 0 : i32
    return %c0_i32 : i32
  }
  func.func @transform_7(%arg0: i32) -> i32 {
    %c0_i32 = arith.constant 0 : i32
    %c0_i32_0 = arith.constant 0 : i32
    return %c0_i32 : i32
  }
  func.func @transform_8(%arg0: i32) -> (i32, i32, i32) {
    %c0_i32 = arith.constant 0 : i32
    %c0_i32_0 = arith.constant 0 : i32
    %c0_i32_1 = arith.constant 0 : i32
    return %arg0, %c0_i32, %c0_i32_0 : i32, i32, i32
  }
}

</mosaic_0001>

<sc_bundles>
// kernel: sparse-core-data-format-call.cloned.1.call-start
scs
called_computation_lowered:
.L_overlay_start_0:
0x0: {  	s2 =	sld [smem:$0x3FD9]  }
0x1: {  	s3 =	sld [smem:$0x3FFE];
	_ =	sdelay $0x1  }
0x2: {  	s1 =	srdreg.scid  }
0x3: {  	s0 =	sand.u32 $0x1, s1  }
0x4: {  	s18 =	sshll.u32 s0, $0xA;
	s2 =	sadd.s32 s3, s2  }
0x5: {  	s2 =	sadd.s32 s2, s18  }
0x6: {  	[smem:$0x3FC3] =	sst s2  }
0x7: {  	_ = 	snop  }
0x8: {  	s2 =	sld [smem:$0x3FD0];
	(tm) =	ssettm $0x1  }
0x9: {  	s19 =	sld [smem:$0x3FFB];
	_ =	sdelay $0x3  }
0xa: {  	_ =	strace s19  }
0xb: {  	s3 =	sld [smem:$0x3FFC];
	_ =	sdelay $0x3  }
0xc: {  	_ =	strace s3  }
0xd: {  	s3 =	sld [smem:$0x3FFD];
	_ =	sdelay $0x3  }
0xe: {  	_ =	strace s3  }
0xf: {  	_ =	strace $0x8FFFFFFF  }
0x10: {  	s20 =	sld [smem:$0x3FDB];
	_ =	sdelay $0x1  }
0x11: {  	s4 =	simm.s32 $_scs_section_size  }
0x12: {  	s5 =	simm.s32 $_size__tile_overlayer_lowered;
	s6 =	simm.s32 $_tile_overlayer_lowered  }
0x13: {  	s23 =	simm.s32 $0x1BFF;
	s22 =	sshll.u32 s6, $0x1;
	s3 =	sadd.s32 s4, s20  }
0x14: {  	s7 =	simm.s32 $0x0;
	s21 =	sshll.u32 s5, $0x1;
	s5 =	sadd.s32 s22, s3  }
0x15: {  	[timem:s7], [sflag:s23] =	dma.local [hbm:s5], s21  }
0x16: {  	_ =	swait.ge [sflag:s23], s21  }
0x17: {  	s4 =	ssub.s32 $0x0, s21;
	[sflag:s23] =	ssyncset.done $0x0  }
0x18: {  	[sflag:s23] =	ssyncadd.s32 s4;
	_ =	sdelay $0x1  }
0x19: {  	s24 =	simm.s32 $0x1B8B  }
0x1a: {  	_ =	swait.ge [sflag:s24], $0x1  }
0x1b: {  	[sflag:s24] =	ssyncset.done $0x0  }
0x1c: {  	s26 =	simm.s32 $0x1B8E;
	s25 =	sld [smem:$0x3FFE];
	[sflag:s24] =	ssyncadd.s32 $0xFFFFFFFF  }
0x1d: {  	s27 =	simm.s32 $execute0_lowered;
	[smem:$0x3FD2] =	sst s26  }
0x1e: {  	s5 =	sshll.u32 s27, $0x1;
	_ =	strace $0x80000046;
	[dreg:$0x1] =	wrdreg $0xFFFFFFFF  }
0x1f: {  	s28 =	simm.s32 $_size_execute0_lowered;
	s3 =	sadd.s32 s3, s5;
	[dreg:$0x0] =	wrdreg $0x0  }
0x20: {  	s5 =	sshll.u32 s28, $0x1;
	[dreg:$0x2] =	wrdreg s3  }
0x21: {  	[dreg:$0x3] =	wrdreg s5  }
0x22: {  	[dreg:$0x4] =	wrdreg $0xC0  }
0x23: {  	_ =	task [dreg:s7], $0x5FFFF  }
0x24: {  	[dreg:$0x1] =	wrdreg $0xFFFFFFFF  }
0x25: {  	[dreg:$0x0] =	wrdreg $0x60  }
0x26: {  	[dreg:$0x2] =	wrdreg s25  }
0x27: {  	[dreg:$0x3] =	wrdreg s2  }
0x28: {  	[dreg:$0x4] =	wrdreg $0x9  }
0x29: {  	_ =	task.clear_ibuf [dreg:s7], $0x5FFFF;
	_ =	strace $0x90000046  }
0x2a: {  	s29 =	simm.s32 $0x9;
	_ =	strace $0x80000048  }
0x2b: {  	_ =	swait.ge [sflag:s29], $0x1  }
0x2c: {  	[sflag:s29] =	ssyncadd.s32 $0xFFFFFFFF  }
0x2d: {  	_ =	strace $0x90000048  }
0x2e: {  	_ =	sfence  }
0x2f: {  	s30 =	sld [smem:$0x0];
	_ =	sdelay $0x2  }
0x30: {  	s31 =	sshll.u32 s1, $0xD;
	s1 =	sshrl.u32 s1, $0x2  }
0x31: {  	s3 =	sand.u32 $0x4000, s31;
	s1 =	sadd.s32 s1, s30  }
0x32: {  	s0 =	sor.u32 s3, s0;
	s1 =	sshll.u32 s1, $0x11  }
0x33: {  	s0 =	sor.u32 s1, s0  }
0x34: {  	s0 =	sadd.s32 $0x8F2B, s0  }
0x35: {  	[sflag:s0] =	ssyncadd.remote.s32 $0x1  }
0x36: {  	_ =	sfence.sel $0xFFFF  }
0x37: {  	[dreg:$0x0] =	wrdreg $0xFFFFFFFF;
	(pc) =	sbr.abs _section_cstart, $3  }
0x38: {  	[dreg:$0x1] =	wrdreg $0xFFFFFFFF  }
0x39: {  	_ =	task.clear_ibuf [dreg:s7], $0x2FFFF;
	_ =	strace $0x9FFFFFFF  }
0x3a: {  	(tm) =	ssettm $0x7FFFFFFF  }
0x3b: {  	_ =	shalt  }
tec
execute0_lowered:
.L_overlay_start_1:
0x0: {  	(tag) =	ssettag $0x1  }
0x1: {  	s0 =	srdreg.scid  }
0x2: {  	s5 =	rddreg [dreg:$0x0];
	s1 =	sshll.u32 s0, $0x4  }
0x3: {  	s2 =	rddreg [dreg:$0x1];
	s0 =	stileid.u32;
	s1 =	sand.u32 $0x10, s1  }
0x4: {  	s4 =	simm.s32 $0x1;
	s8 =	simm.s32 $0x2;
	s1 =	sor.u32 s0, s1  }
0x5: {  	s12 =	simm.s32 $0x0;
	s9 =	simm.s32 $0x0;
	s3 =	sshll.u32 s1, $0x7  }
0x6: {  	s11 =	simm.s32 $0x0;
	s5 =	sadd.s32 $0xA00, s5;
	s6 =	ssub.s32 $0x3E8000, s3  }
.Ltmp0:
0x7: {  	s1 =	rddreg [dreg:$0x2];
	s7 =	sand.u32 $0xF80, s6;
	(pc) =	sbr.rel .LBB1_1-.Ltmp0, $4  }
0x8: {  	_ =	strace $0x80000047;
	p0 =	sne.s32 s7, $0x0;
	s7 =	simm.s32 $0x1  }
0x9: {  	[sflag:s4] =	ssyncpa.u1 $0x0;
	s6 =	sshrl.u32 s6, $0xC;
	s7 =	simm.s32 @!p0 $0x0  }
0xa: {  	s10 =	smov.u32 s3;
	[sflag:s8] =	ssyncpa.u1 $0x0;
	s6 =	sadd.s32 s7, s6  }
0xb: {  	s8 =	simm.s32 $0xFA0000;
	p0 =	por $0x0, $0x0;
	s7 =	sadd.s32 $0x1, s6  }
.LBB1_4:
0xc: {  	s15 =	sshll.u32 s9, $0x2  }
0xd: {  	s16 =	sand.u32 $0x7F, s9;
	s17 =	sand.u32 $0xFFFFFE00, s15  }
0xe: {  	s15 =	smulhi.u32 $0x10624DD3, s15;
	s16 =	sor.u32 s16, s17  }
0xf: {  	p1 =	sgt.s32 s9, $0x3E7F80;
	s18 =	smov.u32 s9;
	s17 =	smulhi.u32 $0x10624DD3, s16  }
0x10: {  	s19 =	sshra.s32 s9, $0x1F;
	s18 =	simm.s32 @!p1 $0x3E7F80  }
0x11: {  	s19 =	sand.u32 s19, s9;
	s15 =	sshrl.u32 s15, $0x12;
	s17 =	sshrl.u32 s17, $0x12  }
0x12: {  	s18 =	ssub.s32 s18, s19;
	s15 =	sand.u32 $0x3, s15;
	s17 =	smul.u32 $0x3E8000, s17  }
0x13: {  	s18 =	sadd.s32 $0xFFC18080, s18;
	s15 =	smul.u32 $0x7D000, s15  }
0x14: {  	s27 =	sshll.u32 s18, $0x4;
	p1 =	sgt.s32 s18, $0x7F;
	s16 =	ssub.s32 s16, s17  }
0x15: {  	s28 =	ssub.s32 $0x800, s27;
	s15 =	sadd.s32 s2, s15;
	s29 =	sand.u32 $0x7, s16  }
0x16: {  	s17 =	sshrl.u32 s28, $0x2;
	s16 =	sshrl.u32 s16, $0x3;
	s18 =	sshll.u32 s29, $0x12  }
0x17: {  	[tilespmem:s14+$0x0 ss:$0x81] =	vst.msk $0xffff, v0;
	s17 =	simm.s32 @p1 $0x0;
	s30 =	sadd.s32 s16, s15;
	s31 =	sor.u32 $0x200, s18  }
0x18: {  	[hbm4b:s30+s31] =	stream.strided.scatter [tilespmem:s13], [sflag:$0x2], s17, s8, s31, $0x20;
	[tilespmem:$0x4040] =	vst v63  }
.LBB1_5:
0x19: {  	p1 =	slt.u32 s11, $0x2  }
0x1a: {  	p2 =	sgt.s32 @!p1 s12, $0x3E7F80  }
0x1b: {  	s13 =	smov.u32 s12;
	s14 =	sshra.s32 @!p1 s12, $0x1F;
	p2 =	por !p2, p1  }
0x1c: {  	s12 =	sand.u32 @!p1 s14, s12;
	s13 =	simm.s32 @p2 $0x3E7F80  }
0x1d: {  	s12 =	ssub.s32 @!p1 s13, s12  }
0x1e: {  	s12 =	sadd.s32 @!p1 $0xFFC18080, s12  }
0x1f: {  	s13 =	sshll.u32 @!p1 s12, $0x4  }
0x20: {  	p2 =	sgt.s32 @!p1 s12, $0x7F;
	s12 =	ssub.s32 @!p1 $0x800, s13  }
0x21: {  	s14 =	sadd.s32 $0x1000, s10;
	p2 =	por !p2, p1;
	s12 =	sshrl.u32 @!p1 s12, $0x2  }
0x22: {  	s12 =	simm.s32 @!p2 $0x0;
	p2 =	sgt.s32 s14, $0x3E7FFF  }
0x23: {  	s14 =	smov.u32 @p2 s3;
	p2 =	sne.s32 s11, s7  }
.Ltmp1:
0x24: {  	_ = 	snop;
	(pc) =	sbr.rel @!p2 .LBB1_6-.Ltmp1, $4  }
0x25: {  	s13 =	simm.s32 @!p1 $0x2  }
0x26: {  	p0 =	por !p0, !p0;
	_ =	swait.ge @!p1 [sflag:s13], s12;
	s15 =	ssub.s32 @!p1 $0x0, s12  }
0x27: {  	s12 =	smov.u32 s9;
	s11 =	sadd.s32 $0x1, s11;
	[sflag:s13] =	ssyncset.done @!p1 $0x0  }
0x28: {  	s9 =	smov.u32 s10;
	s10 =	smov.u32 s14;
	[sflag:s13] =	ssyncadd.s32 @!p1 s15  }
.LBB1_1:
0x29: {  	p1 =	sge.u32 s11, s6  }
0x2a: {  	s13 =	sand.u32 @!p1 $0x1FFFFFF, s10  }
0x2b: {  	s14 =	smulhi.u32 @!p1 $0x20C49BB, s13;
	_ =	sdelay $0x1  }
0x2c: {  	s14 =	sshrl.u32 @!p1 s14, $0xF  }
0x2d: {  	s14 =	smul.u32 @!p1 $0x3E8000, s14;
	_ =	sdelay $0x1  }
0x2e: {  	s31 =	sadd.s32 $0xFFFFFFFF, s11;
	s15 =	sxor.u32 @!p1 $0xFFFFFFFF, s11;
	s13 =	ssub.s32 @!p1 s13, s14  }
0x2f: {  	s16 =	simm.s32 @!p1 $0x80;
	s15 =	sshll.u32 @!p1 s15, $0xC;
	s13 =	sshll.u32 @!p1 s13, $0x4  }
0x30: {  	s14 =	sand.u32 @!p1 $0x1000, s15;
	s15 =	simm.s32 @!p1 $0x20;
	s13 =	sadd.s32 @!p1 s5, s13  }
0x31: {  	[tilespmem:s14], [sflag:$0x1] =	stream.strided.gather @!p1 [hbm4b:s13+s15], $0x1000, s16, s15, $0x38;
	[tilespmem:$0x4040] =	vst v63  }
0x32: {  	p1 =	sge.u32 s31, s6  }
.Ltmp2:
0x33: {  	_ = 	snop;
	(pc) =	sbr.rel @p1 .LBB1_5-.Ltmp2, $1  }
0x34: {  	_ =	sdelay $0x3  }
0x35: {  	s13 =	simm.s32 $0x1  }
0x36: {  	_ =	swait.ge [sflag:s4], $0x1000;
	s13 =	simm.s32 @!p0 $0x0  }
0x37: {  	[sflag:s4] =	ssyncset.done $0x0;
	s14 =	sshll.u32 s13, $0xC  }
0x38: {  	[sflag:s4] =	ssyncadd.s32 $0xFFFFF000;
	s17 =	sor.u32 $0x10, s14  }
0x39: {  	s13 =	smul.u32 $0x4080, s13;
	v1 =	vld [tilespmem:s17+$0x0]  }
0x3a: {  	s30 =	sand.u32 $0x1, s11;
	v0 =	vld [tilespmem:s17+$0xFFFFFFF0]  }
0x3b: {  	s14 =	smul.u32 $0x4080, s30;
	s13 =	sshrl.u32 s13, $0x2  }
0x3c: {  	s15 =	sor.u32 $0x2000, s13  }
0x3d: {  	s31 =	sshrl.u32 s14, $0x2;
	s14 =	sadd.s32 $0x0, s15  }
0x3e: {  	s16 =	simm.s32 $0x4;
	s17 =	sadd.s32 $0x20, s17;
	s13 =	sor.u32 $0x2000, s31;
	[tilespmem:s14+$0x810 ss:$0x81] =	vst.msk $0xffff, v1  }
.LBB1_3:
0x3f: {  	v1 =	vld [tilespmem:s17+$0x0];
	p1 =	sne.s32 s16, $0x1FC;
	[tilespmem:s14+$0x0 ss:$0x81] =	vst.msk $0xffff, v0;
	s14 =	smov.u32 s16;
	s16 =	sadd.s32 $0x4, s16  }
.Ltmp3:
0x40: {  	v0 =	vld [tilespmem:s17+$0xFFFFFFF0];
	(pc) =	sbr.rel @p1 .LBB1_3-.Ltmp3, $4  }
0x41: {  	_ = 	snop  }
0x42: {  	s14 =	sshra.s32 s14, $0x2  }
0x43: {  	s14 =	sadd.s32 s14, s15  }
0x44: {  	s17 =	sadd.s32 $0x20, s17;
	[tilespmem:s14+$0x810 ss:$0x81] =	vst.msk $0xffff, v1  }
.Ltmp4:
0x45: {  	_ = 	snop;
	(pc) =	sbr.rel .LBB1_4-.Ltmp4, $1  }
0x46: {  	_ =	sdelay $0x3  }
.LBB1_6:
0x47: {  	_ =	sfence.sel $0x180000  }
0x48: {  	s2 =	simm.s32 $0x1;
	[bflag:$0x0] =	sbarrier.arrive $0xFFFF  }
0x49: {  	s31 =	simm.s32 $0x2;
	[sflag:s2] =	ssyncpa.u1 $0x1  }
0x4a: {  	[sflag:s31] =	ssyncpa.u1 $0x1  }
0x4b: {  	p0 =	sne.s32 s0, $0x0;
	_ =	strace $0x90000047  }
0x4c: {  	s0 =	sadd.s32 @!p0 $0x100000, s1;
	[bflag:$0x2] =	sbarrier.arrive $0xFFFF  }
0x4d: {  	[sflag:s0] =	ssyncadd.tile.s32 @!p0 $0x1;
	_ =	shalt  }
.Lfunc_end1:
_tile_overlayer_lowered:
.L_overlay_start_2:
0x4e: {  	(tag) =	ssettag $0x2  }
0x4f: {  	s0 =	rddreg [dreg:$0x0];
	s2 =	stileid.u32  }
0x50: {  	s1 =	rddreg [dreg:$0x1];
	p0 =	sne.s32 s2, $0x0  }
0x51: {  	s3 =	rddreg [dreg:$0x2];
	[bflag:$0x3] =	sbarrier.arrive $0xFFFF;
	s2 =	simm.s32 @!p0 $0x1C01  }
0x52: {  	[timem:s3], [sflag:s2] =	dma.local @!p0 [hbm:s0], s1  }
0x53: {  	s0 =	simm.s32 @!p0 $0x1  }
0x54: {  	_ =	swait.ge @!p0 [sflag:s0], s1  }
0x55: {  	s1 =	ssub.s32 @!p0 $0x0, s1;
	[sflag:s0] =	ssyncset.done @!p0 $0x0  }
0x56: {  	[sflag:s0] =	ssyncadd.s32 @!p0 s1  }
0x57: {  	[bflag:$0x3] =	sbarrier.arrive $0xFFFF  }
0x58: {  	_ =	shalt  }

</sc_bundles>
